<compile_context>
chip_gen: v7x
topology: tpu7x:2x2x1
jax: 0.10.2.dev20260603
libtpu: 0.0.44.dev20260713+nightly
codegen_flags: <defaults>
</compile_context>

<pallas_src>
import functools

import jax
import jax.numpy as jnp
from jax import lax
from jax.experimental import pallas as pl
from jax.experimental.pallas import tpu as pltpu
from jax.experimental.pallas import tpu_sc as plsc

NUM_TABLES = 26
VOCAB = 100000
DIM = 32
BATCH = 4096

_C = 128


def _make_sc_gather():
    info = plsc.get_sparse_core_info()
    nw = info.num_cores * info.num_subcores
    total = NUM_TABLES * BATCH
    chunks_per_w = total // (_C * nw)
    assert total == chunks_per_w * _C * nw

    mesh = plsc.VectorSubcoreMesh(core_axis_name="c", subcore_axis_name="s")

    @functools.partial(
        pl.kernel,
        mesh=mesh,
        compiler_params=pltpu.CompilerParams(use_tc_tiling_on_sc=False),
        out_type=jax.ShapeDtypeStruct((total, DIM), jnp.float32),
        scratch_types=[
            pltpu.VMEM((chunks_per_w, _C), jnp.int32),
            pltpu.VMEM((chunks_per_w, _C), jnp.int32),
            pltpu.VMEM((chunks_per_w * _C, DIM), jnp.float32),
            pltpu.SemaphoreType.DMA,
        ],
    )
    def sc_gather(tables_hbm, idx_hbm, out_hbm, idx_v, adj_v, rows_v, sem):
        wid = lax.axis_index("s") * info.num_cores + lax.axis_index("c")
        pltpu.sync_copy(idx_hbm.at[wid], idx_v)

        def fire(j, carry):
            g = wid * chunks_per_w + j
            table = g // (BATCH // _C)
            off = table * VOCAB
            for i in range(_C // 16):
                adj_v[j, pl.ds(i * 16, 16)] = idx_v[j, pl.ds(i * 16, 16)] + off
            pltpu.async_copy(
                tables_hbm.at[adj_v.at[j]], rows_v.at[pl.ds(j * _C, _C)], sem
            )
            return carry

        lax.fori_loop(0, chunks_per_w, fire, 0)

        def drain(j, carry):
            pltpu.make_async_copy(
                tables_hbm.at[pl.ds(0, _C)], rows_v.at[pl.ds(j * _C, _C)], sem
            ).wait()
            return carry

        lax.fori_loop(0, chunks_per_w, drain, 0)
        pltpu.sync_copy(rows_v, out_hbm.at[pl.ds(wid * chunks_per_w * _C, chunks_per_w * _C)])

    return sc_gather, nw, chunks_per_w


def kernel(tables, indices, lengths):
    del lengths
    sc_gather, nw, chunks_per_w = _make_sc_gather()
    flat_tables = tables.reshape(NUM_TABLES * VOCAB, DIM)
    idx = indices.astype(jnp.int32).reshape(nw, chunks_per_w, _C)
    out = sc_gather(flat_tables, idx)
    return out.reshape(NUM_TABLES, BATCH, DIM)

# --- scband reference (transcript-rebuilt; emitter-appended) ---
"""Pipeline reference for scband-debug-embedding-collection-14877766713923 (READ-ONLY COPY).

The authoritative reference and input builder live on the scoring server;
editing this copy changes nothing except your own understanding.
"""

import jax, jax.numpy as jnp
import numpy as np

NUM_TABLES = 26
VOCAB = 100000
DIM = 32
BATCH = 4096


def setup_inputs(seed: int = 0) -> dict:
    key = jax.random.key(seed)
    k1, k2 = jax.random.split(key)
    # KeyedJaggedTensor with 26 features, batch 4096, one id per (feature, sample)
    indices = jax.random.randint(k1, (NUM_TABLES, BATCH), 0, VOCAB)
    lengths = jnp.ones((NUM_TABLES, BATCH), dtype=jnp.int32)
    # 26 embedding tables, each [VOCAB, DIM]
    tables = jax.random.normal(k2, (NUM_TABLES, VOCAB, DIM), dtype=jnp.float32) * 0.01
    return {"tables": tables, "indices": indices, "lengths": lengths}


def reference(tables, indices, lengths):
    # EmbeddingCollection forward: per-feature sequence embedding lookup.
    # _GradCheck is an identity in the forward pass (it only inspects grads
    # in the backward), so the forward math is a pure per-table gather.
    # Output: stacked per-feature JaggedTensor values, [NUM_TABLES, BATCH, DIM]
    # (lengths are all ones, so total_values per feature == BATCH).
    out = jax.vmap(lambda tbl, idx: jnp.take(tbl, idx, axis=0))(tables, indices)
    return out

if __name__ == "__main__":
    import jax
    _d = setup_inputs()
    print(jax.jit(kernel)(*tuple(_d.values())))

</pallas_src>

<mosaic_0001>
#map = affine_map<(d0, d1) -> (0, 0)>
#map1 = affine_map<(d0, d1) -> (0, 0, 0)>
module attributes {stable_mosaic.version = 14 : i64} {
  func.func @sc_gather(%arg0: i32, %arg1: i32, %arg2: memref<2600000x32xf32, #tpu.memory_space<hbm>>, %arg3: memref<32x26x128xi32, #tpu.memory_space<hbm>>, %arg4: memref<106496x32xf32, #tpu.memory_space<hbm>>, %arg5: memref<26x128xi32, #tpu.memory_space<vmem>>, %arg6: memref<26x128xi32, #tpu.memory_space<vmem>>, %arg7: memref<3328x32xf32, #tpu.memory_space<vmem>>, %arg8: memref<!tpu.dma_semaphore, #tpu.memory_space<semaphore_mem>>) attributes {dimension_semantics = [#tpu.dimension_semantics<core_parallel>, #tpu.dimension_semantics<subcore_parallel>], iteration_bounds = array<i64: 2, 16>, scalar_prefetch = 0 : i64, scratch_operands = 4 : i64, tpu.core_type = #tpu.core_type<sc_vector_subcore>, window_params = [{transform_indices = #map}, {transform_indices = #map1}, {transform_indices = #map}]} {
    %mul3A = arith.constant 2 : i32
    %mul3A_0 = arith.muli %arg1, %mul3A : i32
    %add3A = arith.addi %mul3A_0, %arg0 : i32
    "tpu.region"() ({
      %run_scoped3A = tpu.sem_alloc : memref<!tpu.dma_semaphore, #tpu.memory_space<semaphore_mem>>
      %dma_start3A = arith.constant 0 : i32
      %dma_start3A_16 = arith.constant 0 : i32
      %dma_start3A_17 = tpu.memref_slice %arg3[%add3A, %dma_start3A, %dma_start3A_16] : memref<32x26x128xi32, #tpu.memory_space<hbm>> -> memref<1x26x128xi32, #tpu.memory_space<hbm>>
      %dma_start3A_18 = tpu.memref_squeeze %dma_start3A_17 : memref<1x26x128xi32, #tpu.memory_space<hbm>> -> memref<26x128xi32, #tpu.memory_space<hbm>>
      %dma_start3A_19 = arith.constant 0 : i32
      %dma_start3A_20 = arith.constant 0 : i32
      %dma_start3A_21 = tpu.memref_slice %arg3[%add3A, %dma_start3A_19, %dma_start3A_20] : memref<32x26x128xi32, #tpu.memory_space<hbm>> -> memref<1x26x128xi32, #tpu.memory_space<hbm>>
      %dma_start3A_22 = tpu.memref_squeeze %dma_start3A_21 : memref<1x26x128xi32, #tpu.memory_space<hbm>> -> memref<26x128xi32, #tpu.memory_space<hbm>>
      tpu.enqueue_dma source(%dma_start3A_22 : memref<26x128xi32, #tpu.memory_space<hbm>>) target(%arg5 : memref<26x128xi32, #tpu.memory_space<vmem>>) target_semaphore(%run_scoped3A : memref<!tpu.dma_semaphore, #tpu.memory_space<semaphore_mem>>)
      %dma_wait3A = arith.constant 0 : i32
      %dma_wait3A_23 = arith.constant 0 : i32
      %dma_wait3A_24 = tpu.memref_slice %arg3[%add3A, %dma_wait3A, %dma_wait3A_23] : memref<32x26x128xi32, #tpu.memory_space<hbm>> -> memref<1x26x128xi32, #tpu.memory_space<hbm>>
      %dma_wait3A_25 = tpu.memref_squeeze %dma_wait3A_24 : memref<1x26x128xi32, #tpu.memory_space<hbm>> -> memref<26x128xi32, #tpu.memory_space<hbm>>
      %dma_wait3A_26 = arith.constant 0 : i32
      %dma_wait3A_27 = arith.constant 0 : i32
      %dma_wait3A_28 = tpu.memref_slice %arg3[%add3A, %dma_wait3A_26, %dma_wait3A_27] : memref<32x26x128xi32, #tpu.memory_space<hbm>> -> memref<1x26x128xi32, #tpu.memory_space<hbm>>
      %dma_wait3A_29 = tpu.memref_squeeze %dma_wait3A_28 : memref<1x26x128xi32, #tpu.memory_space<hbm>> -> memref<26x128xi32, #tpu.memory_space<hbm>>
      tpu.wait_dma2 semaphore(%run_scoped3A : memref<!tpu.dma_semaphore, #tpu.memory_space<semaphore_mem>>) src(%dma_wait3A_29 : memref<26x128xi32, #tpu.memory_space<hbm>>) dst(%arg5 : memref<26x128xi32, #tpu.memory_space<vmem>>)
      tpu.yield
    }) : () -> ()
    %scan3A = arith.constant 0 : i32
    %scan3A_1 = arith.constant 0 : i32
    %scan3A_2 = arith.constant 26 : i32
    %scan3A_3 = arith.addi %scan3A_1, %scan3A_2 : i32
    %scan3A_4 = arith.constant 1 : i32
    scf.for %scan3A_16 = %scan3A_1 to %scan3A_3 step %scan3A_4  : i32 {
      %mul3A_17 = arith.constant 26 : i32
      %mul3A_18 = arith.muli %add3A, %mul3A_17 : i32
      %add3A_19 = arith.addi %mul3A_18, %scan3A_16 : i32
      %jit3A = arith.constant 32 : i32
      %div3A = arith.divsi %add3A_19, %jit3A : i32
      %sign3A = arith.constant 0 : i32
      %sign3A_20 = arith.cmpi sgt, %add3A_19, %sign3A : i32
      %sign3A_21 = arith.extui %sign3A_20 : i1 to i32
      %sign3A_22 = arith.constant 0 : i32
      %sign3A_23 = arith.cmpi slt, %add3A_19, %sign3A_22 : i32
      %sign3A_24 = arith.extui %sign3A_23 : i1 to i32
      %sign3A_25 = arith.subi %sign3A_21, %sign3A_24 : i32
      %sign3A_26 = arith.constant 0 : i32
      %sign3A_27 = arith.cmpi sgt, %jit3A, %sign3A_26 : i32
      %sign3A_28 = arith.extui %sign3A_27 : i1 to i32
      %sign3A_29 = arith.constant 0 : i32
      %sign3A_30 = arith.cmpi slt, %jit3A, %sign3A_29 : i32
      %sign3A_31 = arith.extui %sign3A_30 : i1 to i32
      %sign3A_32 = arith.subi %sign3A_28, %sign3A_31 : i32
      %ne3A = arith.cmpi ne, %sign3A_25, %sign3A_32 : i32
      %rem3A = arith.remsi %add3A_19, %jit3A : i32
      %ne3A_33 = arith.constant 0 : i32
      %ne3A_34 = arith.cmpi ne, %rem3A, %ne3A_33 : i32
      %and3A = arith.andi %ne3A, %ne3A_34 : i1
      %sub3A = arith.constant 1 : i32
      %sub3A_35 = arith.subi %div3A, %sub3A : i32
      %select_n3A = arith.select %and3A, %sub3A_35, %div3A : i32
      %mul3A_36 = arith.constant 100000 : i32
      %mul3A_37 = arith.muli %select_n3A, %mul3A_36 : i32
      %get3A = arith.index_cast %scan3A_16 : i32 to index
      %get3A_38 = arith.constant 0 : index
      %get3A_39 = tpu.vector_load %arg5[%get3A, %get3A_38] {strides = array<i32>} : memref<26x128xi32, #tpu.memory_space<vmem>>, vector<1x16xi32>,
      %get3A_40 = vector.shape_cast %get3A_39 : vector<1x16xi32> to vector<16xi32>
      %add3A_41 = vector.broadcast %mul3A_37 : i32 to vector<16xi32>
      %add3A_42 = arith.addi %get3A_40, %add3A_41 : vector<16xi32>
      %swap3A = arith.index_cast %scan3A_16 : i32 to index
      %swap3A_43 = arith.constant 0 : index
      %swap3A_44 = tpu.vector_load %arg6[%swap3A, %swap3A_43] {strides = array<i32>} : memref<26x128xi32, #tpu.memory_space<vmem>>, vector<1x16xi32>,
      %swap3A_45 = vector.shape_cast %swap3A_44 : vector<1x16xi32> to vector<16xi32>
      %swap3A_46 = vector.shape_cast %add3A_42 : vector<16xi32> to vector<1x16xi32>
      tpu.vector_store %arg6[%swap3A, %swap3A_43], %swap3A_46 {strides = array<i32>} : memref<26x128xi32, #tpu.memory_space<vmem>>, vector<1x16xi32>,
      %get3A_47 = arith.index_cast %scan3A_16 : i32 to index
      %get3A_48 = arith.constant 16 : index
      %get3A_49 = tpu.vector_load %arg5[%get3A_47, %get3A_48] {strides = array<i32>} : memref<26x128xi32, #tpu.memory_space<vmem>>, vector<1x16xi32>,
      %get3A_50 = vector.shape_cast %get3A_49 : vector<1x16xi32> to vector<16xi32>
      %add3A_51 = vector.broadcast %mul3A_37 : i32 to vector<16xi32>
      %add3A_52 = arith.addi %get3A_50, %add3A_51 : vector<16xi32>
      %swap3A_53 = arith.index_cast %scan3A_16 : i32 to index
      %swap3A_54 = arith.constant 16 : index
      %swap3A_55 = tpu.vector_load %arg6[%swap3A_53, %swap3A_54] {strides = array<i32>} : memref<26x128xi32, #tpu.memory_space<vmem>>, vector<1x16xi32>,
      %swap3A_56 = vector.shape_cast %swap3A_55 : vector<1x16xi32> to vector<16xi32>
      %swap3A_57 = vector.shape_cast %add3A_52 : vector<16xi32> to vector<1x16xi32>
      tpu.vector_store %arg6[%swap3A_53, %swap3A_54], %swap3A_57 {strides = array<i32>} : memref<26x128xi32, #tpu.memory_space<vmem>>, vector<1x16xi32>,
      %get3A_58 = arith.index_cast %scan3A_16 : i32 to index
      %get3A_59 = arith.constant 32 : index
      %get3A_60 = tpu.vector_load %arg5[%get3A_58, %get3A_59] {strides = array<i32>} : memref<26x128xi32, #tpu.memory_space<vmem>>, vector<1x16xi32>,
      %get3A_61 = vector.shape_cast %get3A_60 : vector<1x16xi32> to vector<16xi32>
      %add3A_62 = vector.broadcast %mul3A_37 : i32 to vector<16xi32>
      %add3A_63 = arith.addi %get3A_61, %add3A_62 : vector<16xi32>
      %swap3A_64 = arith.index_cast %scan3A_16 : i32 to index
      %swap3A_65 = arith.constant 32 : index
      %swap3A_66 = tpu.vector_load %arg6[%swap3A_64, %swap3A_65] {strides = array<i32>} : memref<26x128xi32, #tpu.memory_space<vmem>>, vector<1x16xi32>,
      %swap3A_67 = vector.shape_cast %swap3A_66 : vector<1x16xi32> to vector<16xi32>
      %swap3A_68 = vector.shape_cast %add3A_63 : vector<16xi32> to vector<1x16xi32>
      tpu.vector_store %arg6[%swap3A_64, %swap3A_65], %swap3A_68 {strides = array<i32>} : memref<26x128xi32, #tpu.memory_space<vmem>>, vector<1x16xi32>,
      %get3A_69 = arith.index_cast %scan3A_16 : i32 to index
      %get3A_70 = arith.constant 48 : index
      %get3A_71 = tpu.vector_load %arg5[%get3A_69, %get3A_70] {strides = array<i32>} : memref<26x128xi32, #tpu.memory_space<vmem>>, vector<1x16xi32>,
      %get3A_72 = vector.shape_cast %get3A_71 : vector<1x16xi32> to vector<16xi32>
      %add3A_73 = vector.broadcast %mul3A_37 : i32 to vector<16xi32>
      %add3A_74 = arith.addi %get3A_72, %add3A_73 : vector<16xi32>
      %swap3A_75 = arith.index_cast %scan3A_16 : i32 to index
      %swap3A_76 = arith.constant 48 : index
      %swap3A_77 = tpu.vector_load %arg6[%swap3A_75, %swap3A_76] {strides = array<i32>} : memref<26x128xi32, #tpu.memory_space<vmem>>, vector<1x16xi32>,
      %swap3A_78 = vector.shape_cast %swap3A_77 : vector<1x16xi32> to vector<16xi32>
      %swap3A_79 = vector.shape_cast %add3A_74 : vector<16xi32> to vector<1x16xi32>
      tpu.vector_store %arg6[%swap3A_75, %swap3A_76], %swap3A_79 {strides = array<i32>} : memref<26x128xi32, #tpu.memory_space<vmem>>, vector<1x16xi32>,
      %get3A_80 = arith.index_cast %scan3A_16 : i32 to index
      %get3A_81 = arith.constant 64 : index
      %get3A_82 = tpu.vector_load %arg5[%get3A_80, %get3A_81] {strides = array<i32>} : memref<26x128xi32, #tpu.memory_space<vmem>>, vector<1x16xi32>,
      %get3A_83 = vector.shape_cast %get3A_82 : vector<1x16xi32> to vector<16xi32>
      %add3A_84 = vector.broadcast %mul3A_37 : i32 to vector<16xi32>
      %add3A_85 = arith.addi %get3A_83, %add3A_84 : vector<16xi32>
      %swap3A_86 = arith.index_cast %scan3A_16 : i32 to index
      %swap3A_87 = arith.constant 64 : index
      %swap3A_88 = tpu.vector_load %arg6[%swap3A_86, %swap3A_87] {strides = array<i32>} : memref<26x128xi32, #tpu.memory_space<vmem>>, vector<1x16xi32>,
      %swap3A_89 = vector.shape_cast %swap3A_88 : vector<1x16xi32> to vector<16xi32>
      %swap3A_90 = vector.shape_cast %add3A_85 : vector<16xi32> to vector<1x16xi32>
      tpu.vector_store %arg6[%swap3A_86, %swap3A_87], %swap3A_90 {strides = array<i32>} : memref<26x128xi32, #tpu.memory_space<vmem>>, vector<1x16xi32>,
      %get3A_91 = arith.index_cast %scan3A_16 : i32 to index
      %get3A_92 = arith.constant 80 : index
      %get3A_93 = tpu.vector_load %arg5[%get3A_91, %get3A_92] {strides = array<i32>} : memref<26x128xi32, #tpu.memory_space<vmem>>, vector<1x16xi32>,
      %get3A_94 = vector.shape_cast %get3A_93 : vector<1x16xi32> to vector<16xi32>
      %add3A_95 = vector.broadcast %mul3A_37 : i32 to vector<16xi32>
      %add3A_96 = arith.addi %get3A_94, %add3A_95 : vector<16xi32>
      %swap3A_97 = arith.index_cast %scan3A_16 : i32 to index
      %swap3A_98 = arith.constant 80 : index
      %swap3A_99 = tpu.vector_load %arg6[%swap3A_97, %swap3A_98] {strides = array<i32>} : memref<26x128xi32, #tpu.memory_space<vmem>>, vector<1x16xi32>,
      %swap3A_100 = vector.shape_cast %swap3A_99 : vector<1x16xi32> to vector<16xi32>
      %swap3A_101 = vector.shape_cast %add3A_96 : vector<16xi32> to vector<1x16xi32>
      tpu.vector_store %arg6[%swap3A_97, %swap3A_98], %swap3A_101 {strides = array<i32>} : memref<26x128xi32, #tpu.memory_space<vmem>>, vector<1x16xi32>,
      %get3A_102 = arith.index_cast %scan3A_16 : i32 to index
      %get3A_103 = arith.constant 96 : index
      %get3A_104 = tpu.vector_load %arg5[%get3A_102, %get3A_103] {strides = array<i32>} : memref<26x128xi32, #tpu.memory_space<vmem>>, vector<1x16xi32>,
      %get3A_105 = vector.shape_cast %get3A_104 : vector<1x16xi32> to vector<16xi32>
      %add3A_106 = vector.broadcast %mul3A_37 : i32 to vector<16xi32>
      %add3A_107 = arith.addi %get3A_105, %add3A_106 : vector<16xi32>
      %swap3A_108 = arith.index_cast %scan3A_16 : i32 to index
      %swap3A_109 = arith.constant 96 : index
      %swap3A_110 = tpu.vector_load %arg6[%swap3A_108, %swap3A_109] {strides = array<i32>} : memref<26x128xi32, #tpu.memory_space<vmem>>, vector<1x16xi32>,
      %swap3A_111 = vector.shape_cast %swap3A_110 : vector<1x16xi32> to vector<16xi32>
      %swap3A_112 = vector.shape_cast %add3A_107 : vector<16xi32> to vector<1x16xi32>
      tpu.vector_store %arg6[%swap3A_108, %swap3A_109], %swap3A_112 {strides = array<i32>} : memref<26x128xi32, #tpu.memory_space<vmem>>, vector<1x16xi32>,
      %get3A_113 = arith.index_cast %scan3A_16 : i32 to index
      %get3A_114 = arith.constant 112 : index
      %get3A_115 = tpu.vector_load %arg5[%get3A_113, %get3A_114] {strides = array<i32>} : memref<26x128xi32, #tpu.memory_space<vmem>>, vector<1x16xi32>,
      %get3A_116 = vector.shape_cast %get3A_115 : vector<1x16xi32> to vector<16xi32>
      %add3A_117 = vector.broadcast %mul3A_37 : i32 to vector<16xi32>
      %add3A_118 = arith.addi %get3A_116, %add3A_117 : vector<16xi32>
      %swap3A_119 = arith.index_cast %scan3A_16 : i32 to index
      %swap3A_120 = arith.constant 112 : index
      %swap3A_121 = tpu.vector_load %arg6[%swap3A_119, %swap3A_120] {strides = array<i32>} : memref<26x128xi32, #tpu.memory_space<vmem>>, vector<1x16xi32>,
      %swap3A_122 = vector.shape_cast %swap3A_121 : vector<1x16xi32> to vector<16xi32>
      %swap3A_123 = vector.shape_cast %add3A_118 : vector<16xi32> to vector<1x16xi32>
      tpu.vector_store %arg6[%swap3A_119, %swap3A_120], %swap3A_123 {strides = array<i32>} : memref<26x128xi32, #tpu.memory_space<vmem>>, vector<1x16xi32>,
      %mul3A_124 = arith.constant 128 : i32
      %mul3A_125 = arith.muli %scan3A_16, %mul3A_124 : i32
      %dma_start3A = arith.constant 0 : i32
      %dma_start3A_126 = tpu.memref_slice %arg7[%mul3A_125, %dma_start3A] : memref<3328x32xf32, #tpu.memory_space<vmem>> -> memref<128x32xf32, #tpu.memory_space<vmem>>
      %dma_start3A_127 = arith.constant 0 : i32
      %dma_start3A_128 = tpu.memref_slice %arg6[%scan3A_16, %dma_start3A_127] : memref<26x128xi32, #tpu.memory_space<vmem>> -> memref<1x128xi32, #tpu.memory_space<vmem>>
      %dma_start3A_129 = tpu.memref_squeeze %dma_start3A_128 : memref<1x128xi32, #tpu.memory_space<vmem>> -> memref<128xi32, #tpu.memory_space<vmem>>
      %dma_start3A_130 = arith.constant 0 : i32
      %dma_start3A_131 = arith.constant 0 : i32
      %dma_start3A_132 = tpu.memref_slice %arg2[%dma_start3A_130, %dma_start3A_131] : memref<2600000x32xf32, #tpu.memory_space<hbm>> -> memref<2600000x32xf32, #tpu.memory_space<hbm>>
      tpu.enqueue_indirect_dma source(%dma_start3A_132 : memref<2600000x32xf32, #tpu.memory_space<hbm>>) target(%dma_start3A_126 : memref<128x32xf32, #tpu.memory_space<vmem>>) offsets(%dma_start3A_129 : memref<128xi32, #tpu.memory_space<vmem>>) semaphore(%arg8 : memref<!tpu.dma_semaphore, #tpu.memory_space<semaphore_mem>>)
    }
    %scan3A_5 = arith.constant 26 : i32
    %scan3A_6 = arith.constant 0 : i32
    %scan3A_7 = arith.constant 0 : i32
    %scan3A_8 = arith.constant 26 : i32
    %scan3A_9 = arith.addi %scan3A_7, %scan3A_8 : i32
    %scan3A_10 = arith.constant 1 : i32
    scf.for %scan3A_16 = %scan3A_7 to %scan3A_9 step %scan3A_10  : i32 {
      %mul3A_17 = arith.constant 128 : i32
      %mul3A_18 = arith.muli %scan3A_16, %mul3A_17 : i32
      %dma_wait3A = arith.constant 0 : i32
      %dma_wait3A_19 = tpu.memref_slice %arg7[%mul3A_18, %dma_wait3A] : memref<3328x32xf32, #tpu.memory_space<vmem>> -> memref<128x32xf32, #tpu.memory_space<vmem>>
      %dma_wait3A_20 = arith.constant 0 : i32
      %dma_wait3A_21 = arith.constant 0 : i32
      %dma_wait3A_22 = tpu.memref_slice %arg2[%dma_wait3A_20, %dma_wait3A_21] : memref<2600000x32xf32, #tpu.memory_space<hbm>> -> memref<128x32xf32, #tpu.memory_space<hbm>>
      %dma_wait3A_23 = arith.constant 0 : i32
      %dma_wait3A_24 = tpu.memref_slice %arg7[%mul3A_18, %dma_wait3A_23] : memref<3328x32xf32, #tpu.memory_space<vmem>> -> memref<128x32xf32, #tpu.memory_space<vmem>>
      %dma_wait3A_25 = arith.constant 0 : i32
      %dma_wait3A_26 = arith.constant 0 : i32
      %dma_wait3A_27 = tpu.memref_slice %arg2[%dma_wait3A_25, %dma_wait3A_26] : memref<2600000x32xf32, #tpu.memory_space<hbm>> -> memref<128x32xf32, #tpu.memory_space<hbm>>
      tpu.wait_dma2 semaphore(%arg8 : memref<!tpu.dma_semaphore, #tpu.memory_space<semaphore_mem>>) src(%dma_wait3A_27 : memref<128x32xf32, #tpu.memory_space<hbm>>) dst(%dma_wait3A_24 : memref<128x32xf32, #tpu.memory_space<vmem>>)
    }
    %scan3A_11 = arith.constant 26 : i32
    %mul3A_12 = arith.constant 26 : i32
    %mul3A_13 = arith.muli %add3A, %mul3A_12 : i32
    %mul3A_14 = arith.constant 128 : i32
    %mul3A_15 = arith.muli %mul3A_13, %mul3A_14 : i32
    "tpu.region"() ({
      %run_scoped3A = tpu.sem_alloc : memref<!tpu.dma_semaphore, #tpu.memory_space<semaphore_mem>>
      %dma_start3A = arith.constant 0 : i32
      %dma_start3A_16 = tpu.memref_slice %arg4[%mul3A_15, %dma_start3A] : memref<106496x32xf32, #tpu.memory_space<hbm>> -> memref<3328x32xf32, #tpu.memory_space<hbm>>
      %dma_start3A_17 = arith.constant 0 : i32
      %dma_start3A_18 = tpu.memref_slice %arg4[%mul3A_15, %dma_start3A_17] : memref<106496x32xf32, #tpu.memory_space<hbm>> -> memref<3328x32xf32, #tpu.memory_space<hbm>>
      tpu.enqueue_dma source(%arg7 : memref<3328x32xf32, #tpu.memory_space<vmem>>) target(%dma_start3A_18 : memref<3328x32xf32, #tpu.memory_space<hbm>>) target_semaphore(%run_scoped3A : memref<!tpu.dma_semaphore, #tpu.memory_space<semaphore_mem>>)
      %dma_wait3A = arith.constant 0 : i32
      %dma_wait3A_19 = tpu.memref_slice %arg4[%mul3A_15, %dma_wait3A] : memref<106496x32xf32, #tpu.memory_space<hbm>> -> memref<3328x32xf32, #tpu.memory_space<hbm>>
      %dma_wait3A_20 = arith.constant 0 : i32
      %dma_wait3A_21 = tpu.memref_slice %arg4[%mul3A_15, %dma_wait3A_20] : memref<106496x32xf32, #tpu.memory_space<hbm>> -> memref<3328x32xf32, #tpu.memory_space<hbm>>
      tpu.wait_dma2 semaphore(%run_scoped3A : memref<!tpu.dma_semaphore, #tpu.memory_space<semaphore_mem>>) src(%arg7 : memref<3328x32xf32, #tpu.memory_space<vmem>>) dst(%dma_wait3A_21 : memref<3328x32xf32, #tpu.memory_space<hbm>>)
      tpu.yield
    }) : () -> ()
    return
  }
}

</mosaic_0001>

<sc_bundles>
// kernel: kernel.3.cloned.1.call-start
scs
__scs_entry_jumppad:
0x0: {  	(pc) =	sbr.rel $0x88, $3  }
0x1: {  	(tag) =	ssettag $0x0;
	lr =	simm.s32 $0x1  }
0x2: {  	[smem:$0x3F9F] =	sst lr;
	_ =	strace $0xD0000000  }
0x3: {  	_ = 	snop  }
0x4: {  	_ = 	snop  }
0x5: {  	_ = 	snop  }
0x6: {  	_ = 	snop  }
0x7: {  	_ = 	snop  }
__scs_overlays_trampoline_lowered:
0x8: {  	[smem:$0x3FAE] =	sst s0  }
0x9: {  	[smem:$0x3FAF] =	sst s1  }
0xa: {  	[smem:$0x3FB0] =	sst s2  }
0xb: {  	[smem:$0x3FB1] =	sst s3  }
0xc: {  	[smem:$0x3FB2] =	sst s4  }
0xd: {  	[smem:$0x3FB3] =	sst s5  }
0xe: {  	[smem:$0x3FB4] =	sst s6  }
0xf: {  	[smem:$0x3FB5] =	sst s7  }
0x10: {  	[smem:$0x3FB6] =	sst s8  }
0x11: {  	[smem:$0x3FB7] =	sst s9;
	s0 =	simm.s32 @!p0 $0x0  }
0x12: {  	s1 =	sld [smem:$0x3F9D];
	s0 =	simm.s32 @p0 $0x1  }
0x13: {  	[smem:$0x3FB8] =	sst s0;
	s0 =	simm.s32 @!p1 $0x0  }
0x14: {  	s2 =	sld [smem:$0x3F9C];
	s0 =	simm.s32 @p1 $0x1  }
0x15: {  	[smem:$0x3FB9] =	sst s0;
	s0 =	simm.s32 @!p2 $0x0  }
0x16: {  	s3 =	sld [smem:$0x3FDB];
	s0 =	simm.s32 @p2 $0x1  }
0x17: {  	s4 =	simm.s32 $0x1BF5;
	[smem:$0x3FBB] =	sst s0  }
0x18: {  	s0 =	sld [smem:$0x3F9E];
	_ =	swait.ge [sflag:s4], $0x0  }
0x19: {  	s7 =	sld [smem:$0x3F9F]  }
0x1a: {  	s8 =	sadd.s32 $0xFFFFE003, lr  }
0x1b: {  	s9 =	sadd.s32 $0xFFFFFEF7, lr;
	s5 =	simm.s32 $0xFFFFFFFF;
	p2 =	slt.u32 s8, $0xFFFFF086  }
0x1c: {  	p1 =	slt.u32 s9, $0xF7A;
	s5 =	simm.s32 @!p2 $0x0  }
0x1d: {  	s5 =	simm.s32 @p1 $0x1;
	p0 =	seq.s32 s7, s2  }
0x1e: {  	s7 =	smul.u32 @!p0 $0xF7A, s2;
	p2 =	seq.s32 @!p0 s5, $0x0  }
0x1f: {  	s9 =	smul.u32 $0xF7A, s1;
	s8 =	simm.s32 @!p0 $0x1BF5;
	p2 =	por !p2, p0  }
0x20: {  	[sflag:s8] =	ssyncset.s32 @!p0 $0xFFFFF086;
	s6 =	sadd.s32 @!p0 s3, s7;
	s7 =	simm.s32 @!p0 $0x108  }
0x21: {  	s3 =	sadd.s32 s3, s9;
	s6 =	sadd.s32 @!p0 $0x88, s6;
	s7 =	simm.s32 @p2 $0x1082  }
0x22: {  	[simem:s7], [sflag:s8] =	dma.local @!p0 [hbm:s6], $0xF7A  }
0x23: {  	s9 =	sor.u32 $0xD0000000, s2;
	s6 =	simm.s32 $0x108;
	_ =	swait.ge @!p0 [sflag:s8], $0x0  }
0x24: {  	s3 =	sadd.s32 $0x88, s3;
	s6 =	simm.s32 @!p1 $0x1082;
	[sflag:s4] =	ssyncset.s32 $0xFFFFF086  }
0x25: {  	[simem:s6], [sflag:s4] =	dma.local [hbm:s3], $0xF7A  }
0x26: {  	[smem:$0x3F9F] =	sst s1;
	(tag) =	ssettag s2;
	_ =	strace s9  }
0x27: {  	s1 =	sld [smem:$0x3FAF]  }
0x28: {  	s2 =	sld [smem:$0x3FB0]  }
0x29: {  	s4 =	sld [smem:$0x3FB2]  }
0x2a: {  	p0 =	seq.s32 s5, $0x0;
	s5 =	sld [smem:$0x3FB3]  }
0x2b: {  	s6 =	sld [smem:$0x3FB4]  }
0x2c: {  	s7 =	sld [smem:$0x3FB5]  }
0x2d: {  	s3 =	simm.s32 $0x108;
	s8 =	sld [smem:$0x3FB6]  }
0x2e: {  	s3 =	simm.s32 @!p0 $0x1082;
	s9 =	sld [smem:$0x3FB7]  }
0x2f: {  	lr =	sadd.s32 s0, s3;
	s0 =	sld [smem:$0x3FAE]  }
0x30: {  	s3 =	sld [smem:$0x3FB1]  }
0x31: {  	[smem:$0x3FBA] =	sst s10  }
0x32: {  	s10 =	sld [smem:$0x3FB8];
	_ =	sdelay $0x3  }
0x33: {  	p0 =	seq.s32 s10, $0x1;
	s10 =	sld [smem:$0x3FBA];
	_ =	sdelay $0x3  }
0x34: {  	[smem:$0x3FBA] =	sst s10  }
0x35: {  	s10 =	sld [smem:$0x3FB9];
	_ =	sdelay $0x3  }
0x36: {  	p1 =	seq.s32 s10, $0x1;
	s10 =	sld [smem:$0x3FBA];
	_ =	sdelay $0x3  }
0x37: {  	[smem:$0x3FBA] =	sst s10  }
0x38: {  	s10 =	sld [smem:$0x3FBB]  }
0x39: {  	_ = 	snop;
	(pc) =	sbr.ind lr, $3  }
0x3a: {  	_ = 	snop  }
0x3b: {  	_ = 	snop  }
0x3c: {  	p2 =	seq.s32 s10, $0x1;
	s10 =	sld [smem:$0x3FBA]  }
0x3d: {  	_ =	shalt  }
0x3e: {  	_ =	shalt  }
0x3f: {  	_ =	shalt  }
0x40: {  	_ =	shalt  }
0x41: {  	_ =	shalt  }
0x42: {  	_ =	shalt  }
0x43: {  	_ =	shalt  }
0x44: {  	_ =	shalt  }
0x45: {  	_ =	shalt  }
0x46: {  	_ =	shalt  }
0x47: {  	_ =	shalt  }
0x48: {  	_ =	shalt  }
0x49: {  	_ =	shalt  }
0x4a: {  	_ =	shalt  }
0x4b: {  	_ =	shalt  }
0x4c: {  	_ =	shalt  }
0x4d: {  	_ =	shalt  }
0x4e: {  	_ =	shalt  }
0x4f: {  	_ =	shalt  }
0x50: {  	_ =	shalt  }
0x51: {  	_ =	shalt  }
0x52: {  	_ =	shalt  }
0x53: {  	_ =	shalt  }
0x54: {  	_ =	shalt  }
0x55: {  	_ =	shalt  }
0x56: {  	_ =	shalt  }
0x57: {  	_ =	shalt  }
0x58: {  	_ =	shalt  }
0x59: {  	_ =	shalt  }
0x5a: {  	_ =	shalt  }
0x5b: {  	_ =	shalt  }
0x5c: {  	_ =	shalt  }
0x5d: {  	_ =	shalt  }
0x5e: {  	_ =	shalt  }
0x5f: {  	_ =	shalt  }
0x60: {  	_ =	shalt  }
0x61: {  	_ =	shalt  }
0x62: {  	_ =	shalt  }
0x63: {  	_ =	shalt  }
0x64: {  	_ =	shalt  }
0x65: {  	_ =	shalt  }
0x66: {  	_ =	shalt  }
0x67: {  	_ =	shalt  }
0x68: {  	_ =	shalt  }
0x69: {  	_ =	shalt  }
0x6a: {  	_ =	shalt  }
0x6b: {  	_ =	shalt  }
0x6c: {  	_ =	shalt  }
0x6d: {  	_ =	shalt  }
0x6e: {  	_ =	shalt  }
0x6f: {  	_ =	shalt  }
0x70: {  	_ =	shalt  }
0x71: {  	_ =	shalt  }
0x72: {  	_ =	shalt  }
0x73: {  	_ =	shalt  }
0x74: {  	_ =	shalt  }
0x75: {  	_ =	shalt  }
0x76: {  	_ =	shalt  }
0x77: {  	_ =	shalt  }
0x78: {  	_ =	shalt  }
0x79: {  	_ =	shalt  }
0x7a: {  	_ =	shalt  }
0x7b: {  	_ =	shalt  }
0x7c: {  	_ =	shalt  }
0x7d: {  	_ =	shalt  }
0x7e: {  	_ =	shalt  }
0x7f: {  	_ =	shalt  }
0x80: {  	_ =	shalt  }
0x81: {  	_ =	shalt  }
0x82: {  	_ =	shalt  }
0x83: {  	_ =	shalt  }
0x84: {  	_ =	shalt  }
0x85: {  	_ =	shalt  }
0x86: {  	_ =	shalt  }
0x87: {  	_ =	shalt  }
.Lfunc_end0:
.L_simem_size_0:
called_computation_lowered:
.L_overlay_start_0:
0x88: {  	s2 =	sld [smem:$0x3FD9]  }
0x89: {  	s3 =	sld [smem:$0x3FFE];
	_ =	sdelay $0x1  }
0x8a: {  	s1 =	srdreg.scid  }
0x8b: {  	s0 =	sand.u32 $0x1, s1  }
0x8c: {  	s17 =	sshll.u32 s0, $0xA;
	s2 =	sadd.s32 s3, s2  }
0x8d: {  	s2 =	sadd.s32 s2, s17  }
0x8e: {  	[smem:$0x3FC6] =	sst s2  }
0x8f: {  	_ = 	snop  }
0x90: {  	s2 =	sld [smem:$0x3FD0];
	(tm) =	ssettm $0x1  }
0x91: {  	s18 =	sld [smem:$0x3FFB];
	_ =	sdelay $0x3  }
0x92: {  	_ =	strace s18  }
0x93: {  	s3 =	sld [smem:$0x3FFC];
	_ =	sdelay $0x3  }
0x94: {  	_ =	strace s3  }
0x95: {  	s3 =	sld [smem:$0x3FFD];
	_ =	sdelay $0x3  }
0x96: {  	_ =	strace s3  }
0x97: {  	_ =	strace $0x8FFFFFFF  }
0x98: {  	s19 =	sld [smem:$0x3FDB];
	_ =	sdelay $0x1  }
0x99: {  	s4 =	simm.s32 $_scs_section_size  }
0x9a: {  	s5 =	simm.s32 $_size__tile_overlayer_lowered;
	s6 =	simm.s32 $_tile_overlayer_lowered  }
0x9b: {  	s22 =	simm.s32 $0x1BFF;
	s21 =	sshll.u32 s6, $0x1;
	s3 =	sadd.s32 s4, s19  }
0x9c: {  	s7 =	simm.s32 $0x0;
	s20 =	sshll.u32 s5, $0x1;
	s5 =	sadd.s32 s21, s3  }
0x9d: {  	[timem:s7], [sflag:s22] =	dma.local [hbm:s5], s20  }
0x9e: {  	_ =	swait.ge [sflag:s22], s20  }
0x9f: {  	s4 =	ssub.s32 $0x0, s20;
	[sflag:s22] =	ssyncset.done $0x0  }
0xa0: {  	[sflag:s22] =	ssyncadd.s32 s4;
	_ =	sdelay $0x1  }
0xa1: {  	s23 =	simm.s32 $0x1B8B  }
0xa2: {  	_ =	swait.ge [sflag:s23], $0x1  }
0xa3: {  	[sflag:s23] =	ssyncset.done $0x0  }
0xa4: {  	s25 =	simm.s32 $0x1B8E;
	s24 =	sld [smem:$0x3FFE];
	[sflag:s23] =	ssyncadd.s32 $0xFFFFFFFF  }
0xa5: {  	s26 =	simm.s32 $execute0_lowered;
	[smem:$0x3FD2] =	sst s25  }
0xa6: {  	s5 =	sshll.u32 s26, $0x1;
	_ =	strace $0x80000046;
	[dreg:$0x1] =	wrdreg $0xFFFFFFFF  }
0xa7: {  	s28 =	simm.s32 $_size_execute0_lowered;
	s3 =	sadd.s32 s3, s5;
	[dreg:$0x0] =	wrdreg $0x0  }
0xa8: {  	s5 =	sshll.u32 s28, $0x1;
	[dreg:$0x2] =	wrdreg s3  }
0xa9: {  	[dreg:$0x3] =	wrdreg s5  }
0xaa: {  	[dreg:$0x4] =	wrdreg $0xC0  }
0xab: {  	_ =	task [dreg:s7], $0x5FFFF  }
0xac: {  	[dreg:$0x1] =	wrdreg $0xFFFFFFFF  }
0xad: {  	[dreg:$0x0] =	wrdreg $0x60  }
0xae: {  	[dreg:$0x2] =	wrdreg s24  }
0xaf: {  	[dreg:$0x3] =	wrdreg s2  }
0xb0: {  	[dreg:$0x4] =	wrdreg $0x9  }
0xb1: {  	_ =	task.clear_ibuf [dreg:s7], $0x5FFFF;
	_ =	strace $0x90000046  }
0xb2: {  	s29 =	simm.s32 $0x9;
	_ =	strace $0x80000048  }
0xb3: {  	_ =	swait.ge [sflag:s29], $0x1  }
0xb4: {  	[sflag:s29] =	ssyncadd.s32 $0xFFFFFFFF  }
0xb5: {  	_ =	strace $0x90000048  }
0xb6: {  	_ =	sfence  }
0xb7: {  	s30 =	sld [smem:$0x0];
	_ =	sdelay $0x2  }
0xb8: {  	s31 =	sshll.u32 s1, $0xD;
	s1 =	sshrl.u32 s1, $0x2  }
0xb9: {  	s3 =	sand.u32 $0x4000, s31;
	s1 =	sadd.s32 s1, s30  }
0xba: {  	s0 =	sor.u32 s3, s0;
	s1 =	sshll.u32 s1, $0x11  }
0xbb: {  	s0 =	sor.u32 s1, s0  }
0xbc: {  	s0 =	sadd.s32 $0x8F2B, s0  }
0xbd: {  	[sflag:s0] =	ssyncadd.remote.s32 $0x1  }
0xbe: {  	_ =	sfence.sel $0xFFFF  }
0xbf: {  	[dreg:$0x0] =	wrdreg $0xFFFFFFFF;
	(pc) =	sbr.abs _section_cstart, $3  }
0xc0: {  	[dreg:$0x1] =	wrdreg $0xFFFFFFFF  }
0xc1: {  	_ =	task.clear_ibuf [dreg:s7], $0x2FFFF;
	_ =	strace $0x9FFFFFFF  }
0xc2: {  	(tm) =	ssettm $0x7FFFFFFF  }
0xc3: {  	_ =	shalt  }
tec
execute0_lowered:
.L_overlay_start_1:
0x0: {  	(tag) =	ssettag $0x1  }
0x1: {  	s4 =	rddreg [dreg:$0x0];
	s1 =	srdreg.scid  }
0x2: {  	s0 =	stileid.u32;
	s5 =	rddreg [dreg:$0x1];
	s2 =	simm.s32 $0x0  }
0x3: {  	s12 =	simm.s32 $0x0;
	s6 =	sand.u32 $0x1, s1;
	s1 =	rddreg [dreg:$0x2]  }
0x4: {  	s3 =	sshll.u32 s0, $0x1;
	[smem:$0x7FF] =	sst s2;
	s11 =	smul.u32 $0x34, s0  }
0x5: {  	s3 =	sor.u32 s6, s3;
	s8 =	ssub.s32 $0x2, s6;
	s31 =	smul.u32 $0x1A, s6  }
0x6: {  	_ =	strace $0x80000047;
	s7 =	smul.u32 $0x1A0, s3;
	s10 =	sshrl.u32 s8, $0x1  }
0x7: {  	s9 =	smul.u32 $0x3400, s3;
	s3 =	sadd.s32 $0x27ACA00, s4;
	s30 =	ssub.s32 s8, s10  }
0x8: {  	s8 =	simm.s32 $0x2;
	s10 =	simm.s32 $0x1;
	s4 =	sadd.s32 s7, s4  }
0x9: {  	s5 =	sadd.s32 s5, s9;
	s6 =	smax.u32 s30, $0x1;
	s7 =	sadd.s32 s31, s11  }
0xa: {  	s9 =	simm.s32 $0x80;
	s11 =	simm.s32 $0x1A00;
	s4 =	sadd.s32 $0x600, s4  }
.LBB2_1:
0xb: {  	[tilespmem:s2], [sflag:$0x2] =	stream.linear.gather [hbm4b:s4+s2], $0xD00, $0x38;
	[tilespmem:$0x1BA00] =	vst v63  }
0xc: {  	_ =	swait.ge [sflag:s8], $0xD00  }
0xd: {  	[sflag:s8] =	ssyncset.done $0x0  }
0xe: {  	s14 =	simm.s32 $0x0;
	[sflag:s8] =	ssyncadd.s32 $0xFFFFF300  }
0xf: {  	v0 =	vld [tilespmem:s14+$0x0]  }
0x10: {  	v1 =	vld [tilespmem:s14+$0x10]  }
0x11: {  	s13 =	sshrl.u32 s7, $0x5;
	v2 =	vld [tilespmem:s14+$0x20]  }
0x12: {  	s13 =	smul.u32 $0x186A0, s13;
	v3 =	vld [tilespmem:s14+$0x30]  }
0x13: {  	v4 =	vld [tilespmem:s14+$0x40]  }
0x14: {  	v5 =	vld [tilespmem:s14+$0x50];
	v0 =	vadd.s32 s13, v0  }
0x15: {  	[tilespmem:s14+$0xD00] =	vst v0;
	v0 =	vadd.s32 s13, v1;
	v1 =	vld [tilespmem:s14+$0x60]  }
0x16: {  	[tilespmem:s14+$0xD10] =	vst v0;
	v0 =	vadd.s32 s13, v2;
	v2 =	vld [tilespmem:s14+$0x70]  }
0x17: {  	[tilespmem:s14+$0xD20] =	vst v0;
	v0 =	vadd.s32 s13, v3  }
0x18: {  	[tilespmem:s14+$0xD30] =	vst v0;
	v0 =	vadd.s32 s13, v4  }
0x19: {  	[tilespmem:s14+$0xD40] =	vst v0;
	v0 =	vadd.s32 s13, v5  }
0x1a: {  	[tilespmem:s14+$0xD50] =	vst v0;
	v0 =	vadd.s32 s13, v1  }
0x1b: {  	[tilespmem:s14+$0xD60] =	vst v0;
	v0 =	vadd.s32 s13, v2  }
0x1c: {  	s15 =	simm.s32 $0xD00;
	s13 =	simm.s32 $0x80;
	[tilespmem:s14+$0xD70] =	vst v0  }
0x1d: {  	[tilespmem:s11], [sflag:$0x1] =	stream.indirect.gather [hbm4b:s3+s9], $0x20, s15, s9, $0xb8;
	[tilespmem:$0x1BA00] =	vst v63  }
0x1e: {  	v1 =	vld [tilespmem:s13+$0x0]  }
0x1f: {  	s15 =	sadd.s32 $0x1, s7;
	v3 =	vld [tilespmem:s13+$0x10]  }
0x20: {  	s31 =	sshrl.u32 s15, $0x5;
	v4 =	vld [tilespmem:s13+$0x20]  }
0x21: {  	v2 =	vld [tilespmem:s13+$0x30];
	s16 =	smul.u32 $0x186A0, s31  }
0x22: {  	v0 =	vld [tilespmem:s13+$0x40]  }
0x23: {  	v5 =	vadd.s32 s16, v1;
	v1 =	vld [tilespmem:s13+$0x50]  }
0x24: {  	s17 =	simm.s32 $0x400;
	s14 =	simm.s32 $0x1A00;
	[tilespmem:s13+$0xD00] =	vst v5;
	v5 =	vadd.s32 s16, v3;
	v3 =	vld [tilespmem:s13+$0x60]  }
.LBB2_2:
0x25: {  	p0 =	sne.s32 s17, $0x3200;
	[tilespmem:s13+$0xD10] =	vst v5;
	v4 =	vadd.s32 s16, v4;
	v5 =	vld [tilespmem:s13+$0x70]  }
0x26: {  	[tilespmem:s13+$0xD20] =	vst v4;
	v2 =	vadd.s32 s16, v2  }
0x27: {  	[tilespmem:s13+$0xD30] =	vst v2;
	v0 =	vadd.s32 s16, v0  }
0x28: {  	[tilespmem:s13+$0xD40] =	vst v0;
	v0 =	vadd.s32 s16, v1  }
0x29: {  	[tilespmem:s13+$0xD50] =	vst v0;
	v0 =	vadd.s32 s16, v3  }
0x2a: {  	s18 =	sshra.s32 s17, $0x2;
	s19 =	sadd.s32 $0xD00, s13;
	s14 =	sadd.s32 $0x1000, s14;
	[tilespmem:s13+$0xD60] =	vst v0;
	v0 =	vadd.s32 s16, v5  }
0x2b: {  	[tilespmem:s13+$0xD70] =	vst v0;
	[tilespmem:s14], [sflag:$0x1] =	stream.indirect.gather [hbm4b:s3+s9], $0x20, s19, s9, $0xb8  }
0x2c: {  	s13 =	smov.u32 s18;
	v1 =	vld [tilespmem:s18+$0x0]  }
0x2d: {  	s15 =	sadd.s32 $0x1, s15;
	v3 =	vld [tilespmem:s13+$0x10]  }
.Ltmp0:
0x2e: {  	s16 =	sshrl.u32 s15, $0x5;
	v4 =	vld [tilespmem:s13+$0x20];
	(pc) =	sbr.rel @p0 .LBB2_2-.Ltmp0, $4  }
0x2f: {  	s16 =	smul.u32 $0x186A0, s16;
	v2 =	vld [tilespmem:s13+$0x30]  }
0x30: {  	v0 =	vld [tilespmem:s13+$0x40]  }
0x31: {  	v5 =	vadd.s32 s16, v1;
	v1 =	vld [tilespmem:s13+$0x50]  }
0x32: {  	s17 =	sadd.s32 $0x200, s17;
	[tilespmem:s13+$0xD00] =	vst v5;
	v5 =	vadd.s32 s16, v3;
	v3 =	vld [tilespmem:s13+$0x60]  }
0x33: {  	[tilespmem:s13+$0xD10] =	vst v5;
	v4 =	vadd.s32 s16, v4;
	v60 =	vld [tilespmem:s13+$0x70]  }
0x34: {  	[tilespmem:s13+$0xD20] =	vst v4;
	v2 =	vadd.s32 s16, v2  }
0x35: {  	[tilespmem:s13+$0xD30] =	vst v2;
	v0 =	vadd.s32 s16, v0  }
0x36: {  	[tilespmem:s13+$0xD40] =	vst v0;
	v61 =	vadd.s32 s16, v1  }
0x37: {  	[tilespmem:s13+$0xD50] =	vst v61;
	v62 =	vadd.s32 s16, v3  }
0x38: {  	[tilespmem:s13+$0xD60] =	vst v62;
	v63 =	vadd.s32 s16, v60  }
0x39: {  	s15 =	sadd.s32 $0xD00, s13;
	s14 =	sadd.s32 $0x1000, s14;
	[tilespmem:s13+$0xD70] =	vst v63  }
0x3a: {  	[tilespmem:s14], [sflag:$0x1] =	stream.indirect.gather [hbm4b:s3+s9], $0x20, s15, s9, $0xb8;
	[tilespmem:$0x1BA00] =	vst v63  }
0x3b: {  	_ =	swait.ge [sflag:s10], $0x1000  }
0x3c: {  	[sflag:s10] =	ssyncset.done $0x0  }
0x3d: {  	[sflag:s10] =	ssyncadd.s32 $0xFFFFF000  }
0x3e: {  	_ =	swait.ge [sflag:s10], $0x1000  }
0x3f: {  	[sflag:s10] =	ssyncset.done $0x0  }
0x40: {  	[sflag:s10] =	ssyncadd.s32 $0xFFFFF000  }
0x41: {  	_ =	swait.ge [sflag:s10], $0x1000  }
0x42: {  	[sflag:s10] =	ssyncset.done $0x0  }
0x43: {  	[sflag:s10] =	ssyncadd.s32 $0xFFFFF000  }
0x44: {  	_ =	swait.ge [sflag:s10], $0x1000  }
0x45: {  	[sflag:s10] =	ssyncset.done $0x0  }
0x46: {  	[sflag:s10] =	ssyncadd.s32 $0xFFFFF000  }
0x47: {  	_ =	swait.ge [sflag:s10], $0x1000  }
0x48: {  	[sflag:s10] =	ssyncset.done $0x0  }
0x49: {  	[sflag:s10] =	ssyncadd.s32 $0xFFFFF000  }
0x4a: {  	_ =	swait.ge [sflag:s10], $0x1000  }
0x4b: {  	[sflag:s10] =	ssyncset.done $0x0  }
0x4c: {  	[sflag:s10] =	ssyncadd.s32 $0xFFFFF000  }
0x4d: {  	_ =	swait.ge [sflag:s10], $0x1000  }
0x4e: {  	[sflag:s10] =	ssyncset.done $0x0  }
0x4f: {  	[sflag:s10] =	ssyncadd.s32 $0xFFFFF000  }
0x50: {  	_ =	swait.ge [sflag:s10], $0x1000  }
0x51: {  	[sflag:s10] =	ssyncset.done $0x0  }
0x52: {  	[sflag:s10] =	ssyncadd.s32 $0xFFFFF000  }
0x53: {  	_ =	swait.ge [sflag:s10], $0x1000  }
0x54: {  	[sflag:s10] =	ssyncset.done $0x0  }
0x55: {  	[sflag:s10] =	ssyncadd.s32 $0xFFFFF000  }
0x56: {  	_ =	swait.ge [sflag:s10], $0x1000  }
0x57: {  	[sflag:s10] =	ssyncset.done $0x0  }
0x58: {  	[sflag:s10] =	ssyncadd.s32 $0xFFFFF000  }
0x59: {  	_ =	swait.ge [sflag:s10], $0x1000  }
0x5a: {  	[sflag:s10] =	ssyncset.done $0x0  }
0x5b: {  	[sflag:s10] =	ssyncadd.s32 $0xFFFFF000  }
0x5c: {  	_ =	swait.ge [sflag:s10], $0x1000  }
0x5d: {  	[sflag:s10] =	ssyncset.done $0x0  }
0x5e: {  	[sflag:s10] =	ssyncadd.s32 $0xFFFFF000  }
0x5f: {  	_ =	swait.ge [sflag:s10], $0x1000  }
0x60: {  	[sflag:s10] =	ssyncset.done $0x0  }
0x61: {  	[sflag:s10] =	ssyncadd.s32 $0xFFFFF000  }
0x62: {  	_ =	swait.ge [sflag:s10], $0x1000  }
0x63: {  	[sflag:s10] =	ssyncset.done $0x0  }
0x64: {  	[sflag:s10] =	ssyncadd.s32 $0xFFFFF000  }
0x65: {  	_ =	swait.ge [sflag:s10], $0x1000  }
0x66: {  	[sflag:s10] =	ssyncset.done $0x0  }
0x67: {  	[sflag:s10] =	ssyncadd.s32 $0xFFFFF000  }
0x68: {  	_ =	swait.ge [sflag:s10], $0x1000  }
0x69: {  	[sflag:s10] =	ssyncset.done $0x0  }
0x6a: {  	[sflag:s10] =	ssyncadd.s32 $0xFFFFF000  }
0x6b: {  	_ =	swait.ge [sflag:s10], $0x1000  }
0x6c: {  	[sflag:s10] =	ssyncset.done $0x0  }
0x6d: {  	[sflag:s10] =	ssyncadd.s32 $0xFFFFF000  }
0x6e: {  	_ =	swait.ge [sflag:s10], $0x1000  }
0x6f: {  	[sflag:s10] =	ssyncset.done $0x0  }
0x70: {  	[sflag:s10] =	ssyncadd.s32 $0xFFFFF000  }
0x71: {  	_ =	swait.ge [sflag:s10], $0x1000  }
0x72: {  	[sflag:s10] =	ssyncset.done $0x0  }
0x73: {  	[sflag:s10] =	ssyncadd.s32 $0xFFFFF000  }
0x74: {  	_ =	swait.ge [sflag:s10], $0x1000  }
0x75: {  	[sflag:s10] =	ssyncset.done $0x0  }
0x76: {  	[sflag:s10] =	ssyncadd.s32 $0xFFFFF000  }
0x77: {  	_ =	swait.ge [sflag:s10], $0x1000  }
0x78: {  	[sflag:s10] =	ssyncset.done $0x0  }
0x79: {  	[sflag:s10] =	ssyncadd.s32 $0xFFFFF000  }
0x7a: {  	_ =	swait.ge [sflag:s10], $0x1000  }
0x7b: {  	[sflag:s10] =	ssyncset.done $0x0  }
0x7c: {  	[sflag:s10] =	ssyncadd.s32 $0xFFFFF000  }
0x7d: {  	_ =	swait.ge [sflag:s10], $0x1000  }
0x7e: {  	[sflag:s10] =	ssyncset.done $0x0  }
0x7f: {  	[sflag:s10] =	ssyncadd.s32 $0xFFFFF000  }
0x80: {  	_ =	swait.ge [sflag:s10], $0x1000  }
0x81: {  	[sflag:s10] =	ssyncset.done $0x0  }
0x82: {  	[sflag:s10] =	ssyncadd.s32 $0xFFFFF000  }
0x83: {  	_ =	swait.ge [sflag:s10], $0x1000  }
0x84: {  	[sflag:s10] =	ssyncset.done $0x0  }
0x85: {  	[sflag:s10] =	ssyncadd.s32 $0xFFFFF000  }
0x86: {  	s12 =	sadd.s32 $0x1, s12;
	_ =	swait.ge [sflag:s10], $0x1000  }
0x87: {  	p0 =	sne.s32 s12, s6;
	[sflag:s10] =	ssyncset.done $0x0  }
.Ltmp1:
0x88: {  	[sflag:s10] =	ssyncadd.s32 $0xFFFFF000;
	(pc) =	sbr.rel @p0 .LBB2_1-.Ltmp1, $4  }
0x89: {  	[hbm4b:s5+s2] =	stream.linear.scatter [tilespmem:s11], [sflag:$0x2], $0x1A000, $0x38;
	[tilespmem:$0x1BA00] =	vst v63  }
0x8a: {  	_ =	swait.ge [sflag:s8], $0x1A000  }
0x8b: {  	[sflag:s8] =	ssyncset.done $0x0  }
0x8c: {  	[sflag:s8] =	ssyncadd.s32 $0xFFFE6000  }
0x8d: {  	_ =	sfence.sel $0x180000  }
0x8e: {  	[bflag:$0x0] =	sbarrier.arrive $0xFFFF  }
0x8f: {  	p0 =	sne.s32 s0, $0x0;
	_ =	strace $0x90000047  }
0x90: {  	s0 =	sadd.s32 @!p0 $0x100000, s1;
	[bflag:$0x2] =	sbarrier.arrive $0xFFFF  }
0x91: {  	[sflag:s0] =	ssyncadd.tile.s32 @!p0 $0x1;
	_ =	shalt  }
.Lfunc_end2:
_tile_overlayer_lowered:
.L_overlay_start_2:
0x92: {  	(tag) =	ssettag $0x2  }
0x93: {  	s0 =	rddreg [dreg:$0x0];
	s2 =	stileid.u32  }
0x94: {  	s1 =	rddreg [dreg:$0x1];
	p0 =	sne.s32 s2, $0x0  }
0x95: {  	s3 =	rddreg [dreg:$0x2];
	[bflag:$0x3] =	sbarrier.arrive $0xFFFF;
	s2 =	simm.s32 @!p0 $0x1C02  }
0x96: {  	[timem:s3], [sflag:s2] =	dma.local @!p0 [hbm:s0], s1  }
0x97: {  	s0 =	simm.s32 @!p0 $0x2  }
0x98: {  	_ =	swait.ge @!p0 [sflag:s0], s1  }
0x99: {  	s1 =	ssub.s32 @!p0 $0x0, s1;
	[sflag:s0] =	ssyncset.done @!p0 $0x0  }
0x9a: {  	[sflag:s0] =	ssyncadd.s32 @!p0 s1  }
0x9b: {  	[bflag:$0x3] =	sbarrier.arrive $0xFFFF  }
0x9c: {  	_ =	shalt  }

</sc_bundles>
